<compile_context>
chip_gen: v7x
topology: tpu7x:2x2x1
jax: 0.10.2.dev20260603
libtpu: 0.0.44.dev20260713+nightly
codegen_flags: <defaults>
</compile_context>

<pallas_src>
import functools

import jax
import jax.numpy as jnp
from jax import lax
from jax.experimental import pallas as pl
from jax.experimental.pallas import tpu as pltpu
from jax.experimental.pallas import tpu_sc as plsc

DIM = 32
N_CODES = 8192
N_TOKENS = 8192
TILE_M = 1024
GRID = N_TOKENS // TILE_M
TABLE_W = 128
BLOCK_C = 2048


def _tc_body(x_ref, e_ref, inds_ref, loss_ref, et_ref, acc_ref, e2_ref):
    pid = pl.program_id(0)

    lane = lax.broadcasted_iota(jnp.int32, (TILE_M, DIM), 1)
    f = jnp.where(lane < DIM, x_ref[...], 0.0)
    e = e_ref[...]

    f2 = jnp.sum(f * f, axis=1, keepdims=True)
    g = -2.0 * f

    @pl.when(pid == 0)
    def _e2():
        e2_ref[...] = jnp.sum(e * e, axis=0, keepdims=True)

    e2 = e2_ref[...]

    acc_v = acc_t = acc_i = None
    for b in range(N_CODES // BLOCK_C):
        e_b = e[:, b * BLOCK_C:(b + 1) * BLOCK_C]
        ab2 = jnp.dot(g, e_b, preferred_element_type=jnp.float32)
        dist = (f2 + ab2) + e2[:, b * BLOCK_C:(b + 1) * BLOCK_C]
        bmin = jnp.min(dist, axis=1, keepdims=True)
        ids = lax.broadcasted_iota(jnp.int32, dist.shape, 1) + b * BLOCK_C
        bidx = jnp.min(jnp.where(dist == bmin, ids, N_CODES), axis=1)
        bmin = bmin[:, 0]
        if b == 0:
            acc_v = bmin.astype(jnp.bfloat16).astype(jnp.float32)
            acc_t = bmin
            acc_i = bidx
        else:
            keep = (acc_v < bmin) | ((acc_v == bmin) & (acc_i < bidx))
            acc_i = jnp.where(keep, acc_i, bidx)
            acc_t = jnp.where(keep, acc_t, bmin)
            acc_v = jnp.where(keep, acc_v, bmin)
            acc_v = acc_v.astype(jnp.bfloat16).astype(jnp.float32)
    inds_ref[...] = acc_i
    minval = acc_t

    @pl.when(pid == 0)
    def _init():
        acc_ref[0, 0] = 0.0
        et_ref[...] = jnp.concatenate(
            [e.T, jnp.zeros((N_CODES, TABLE_W - DIM), jnp.float32)], axis=1)

    acc_ref[0, 0] += jnp.sum(minval)

    @pl.when(pid == GRID - 1)
    def _fini():
        loss_ref[0, 0] = acc_ref[0, 0] * (1.25 / (N_TOKENS * DIM))


_tc_quantize = pl.pallas_call(
    _tc_body,
    grid=(GRID,),
    in_specs=[
        pl.BlockSpec((TILE_M, DIM), lambda i: (i, 0)),
        pl.BlockSpec((DIM, N_CODES), lambda i: (0, 0)),
    ],
    out_specs=[
        pl.BlockSpec((TILE_M,), lambda i: (i,)),
        pl.BlockSpec(memory_space=pltpu.SMEM),
        pl.BlockSpec((N_CODES, TABLE_W), lambda i: (0, 0)),
    ],
    out_shape=[
        jax.ShapeDtypeStruct((N_TOKENS,), jnp.int32),
        jax.ShapeDtypeStruct((1, 1), jnp.float32),
        jax.ShapeDtypeStruct((N_CODES, TABLE_W), jnp.float32),
    ],
    scratch_shapes=[pltpu.SMEM((1, 1), jnp.float32),
                    pltpu.VMEM((1, N_CODES), jnp.float32)],
    compiler_params=pltpu.CompilerParams(
        dimension_semantics=("arbitrary",),
    ),
)


_NC, _NS = 2, 16
_NW = _NC * _NS
_BPW = N_TOKENS // _NW
_CHUNK = 128
_NCHUNK = _BPW // _CHUNK

@functools.cache
def _make_sc_gather():
    mesh = plsc.VectorSubcoreMesh(core_axis_name="c", subcore_axis_name="s")

    @functools.partial(
        pl.kernel,
        mesh=mesh,
        out_type=jax.ShapeDtypeStruct((N_TOKENS, TABLE_W), jnp.float32),
        scratch_types=[
            pltpu.VMEM((_CHUNK,), jnp.int32),
            pltpu.VMEM((_CHUNK, TABLE_W), jnp.float32),
            pltpu.SemaphoreType.DMA,
        ],
    )
    def _sc_gather(table_hbm, idx_hbm, out_hbm, idx_v, rows_v, sem):
        wid = lax.axis_index("s") * _NC + lax.axis_index("c")
        base = wid * _BPW
        for j in range(_NCHUNK):
            off = base + j * _CHUNK
            pltpu.sync_copy(idx_hbm.at[pl.ds(off, _CHUNK)], idx_v)
            pltpu.async_copy(table_hbm.at[idx_v], rows_v, sem).wait()
            pltpu.sync_copy(rows_v, out_hbm.at[pl.ds(off, _CHUNK)])

    return _sc_gather


def kernel(input, embed):
    flatten = input.reshape(-1, DIM)
    inds, loss, table = _tc_quantize(flatten, embed)
    quantized = _make_sc_gather()(table, inds)[:, :DIM]
    return (
        quantized.reshape(input.shape),
        loss[0, 0],
        inds.reshape(input.shape[:-1]),
    )

# --- scband reference (transcript-rebuilt; emitter-appended) ---
"""Pipeline reference for scband-quantizer-9990093931135 (READ-ONLY COPY).

The authoritative reference and input builder live on the scoring server;
editing this copy changes nothing except your own understanding.
"""

import jax, jax.numpy as jnp
import numpy as np

DIM = 32
N_EMBED = 8192

def setup_inputs(seed: int = 0) -> dict:
    key = jax.random.key(seed)
    k1, k2 = jax.random.split(key)
    inp = jax.random.normal(k1, (8, 32, 32, DIM), dtype=jnp.float32)
    embed = jax.random.normal(k2, (DIM, N_EMBED), dtype=jnp.float32)
    return {"input": inp, "embed": embed}

def reference(input, embed):
    dim = embed.shape[0]
    flatten = input.reshape(-1, dim)
    dist = (jnp.sum(flatten ** 2, axis=1, keepdims=True)
            - 2.0 * (flatten @ embed)
            + jnp.sum(embed ** 2, axis=0, keepdims=True))
    embed_inds_flat = jnp.argmin(dist, axis=1)
    embed_inds = embed_inds_flat.reshape(input.shape[:-1])
    # embed_code: F.embedding(inds, embed.T) -> gather rows of embed.T
    quantized = jnp.take(embed.T, embed_inds_flat, axis=0).reshape(input.shape)
    commitment_loss = jnp.mean((jax.lax.stop_gradient(quantized) - input) ** 2)
    embedding_loss = jnp.mean((quantized - jax.lax.stop_gradient(input)) ** 2)
    vq_loss = commitment_loss * 0.25 + embedding_loss
    quantized_st = input + jax.lax.stop_gradient(quantized - input)
    return (quantized_st, vq_loss, embed_inds)

if __name__ == "__main__":
    import jax
    _d = setup_inputs()
    print(jax.jit(kernel)(*tuple(_d.values())))

</pallas_src>

<mosaic_0001>
#map = affine_map<(d0, d1) -> (0, 0)>
#map1 = affine_map<(d0, d1) -> (0)>
module attributes {stable_mosaic.version = 14 : i64} {
  func.func @_sc_gather(%arg0: i32, %arg1: i32, %arg2: memref<8192x128xf32, #tpu.memory_space<hbm>>, %arg3: memref<8192xi32, #tpu.memory_space<hbm>>, %arg4: memref<8192x128xf32, #tpu.memory_space<hbm>>, %arg5: memref<128xi32, #tpu.memory_space<vmem>>, %arg6: memref<128x128xf32, #tpu.memory_space<vmem>>, %arg7: memref<!tpu.dma_semaphore, #tpu.memory_space<semaphore_mem>>) attributes {dimension_semantics = [#tpu.dimension_semantics<core_parallel>, #tpu.dimension_semantics<subcore_parallel>], iteration_bounds = array<i64: 2, 16>, scalar_prefetch = 0 : i64, scratch_operands = 3 : i64, tpu.core_type = #tpu.core_type<sc_vector_subcore>, window_params = [{transform_indices = #map}, {transform_indices = #map1}, {transform_indices = #map}]} {
    %mul3A = arith.constant 2 : i32
    %mul3A_0 = arith.muli %arg1, %mul3A : i32
    %add3A = arith.addi %mul3A_0, %arg0 : i32
    %mul3A_1 = arith.constant 256 : i32
    %mul3A_2 = arith.muli %add3A, %mul3A_1 : i32
    %add3A_3 = arith.constant 0 : i32
    %add3A_4 = arith.addi %mul3A_2, %add3A_3 : i32
    "tpu.region"() ({
      %run_scoped3A = tpu.sem_alloc : memref<!tpu.dma_semaphore, #tpu.memory_space<semaphore_mem>>
      %dma_start3A_17 = tpu.memref_slice %arg3[%add3A_4] : memref<8192xi32, #tpu.memory_space<hbm>> -> memref<128xi32, #tpu.memory_space<hbm>>
      %dma_start3A_18 = tpu.memref_slice %arg3[%add3A_4] : memref<8192xi32, #tpu.memory_space<hbm>> -> memref<128xi32, #tpu.memory_space<hbm>>
      tpu.enqueue_dma source(%dma_start3A_18 : memref<128xi32, #tpu.memory_space<hbm>>) target(%arg5 : memref<128xi32, #tpu.memory_space<vmem>>) target_semaphore(%run_scoped3A : memref<!tpu.dma_semaphore, #tpu.memory_space<semaphore_mem>>)
      %dma_wait3A_19 = tpu.memref_slice %arg3[%add3A_4] : memref<8192xi32, #tpu.memory_space<hbm>> -> memref<128xi32, #tpu.memory_space<hbm>>
      %dma_wait3A_20 = tpu.memref_slice %arg3[%add3A_4] : memref<8192xi32, #tpu.memory_space<hbm>> -> memref<128xi32, #tpu.memory_space<hbm>>
      tpu.wait_dma2 semaphore(%run_scoped3A : memref<!tpu.dma_semaphore, #tpu.memory_space<semaphore_mem>>) src(%dma_wait3A_20 : memref<128xi32, #tpu.memory_space<hbm>>) dst(%arg5 : memref<128xi32, #tpu.memory_space<vmem>>)
      tpu.yield
    }) : () -> ()
    %dma_start3A = arith.constant 0 : i32
    %dma_start3A_5 = arith.constant 0 : i32
    %dma_start3A_6 = tpu.memref_slice %arg2[%dma_start3A, %dma_start3A_5] : memref<8192x128xf32, #tpu.memory_space<hbm>> -> memref<8192x128xf32, #tpu.memory_space<hbm>>
    tpu.enqueue_indirect_dma source(%dma_start3A_6 : memref<8192x128xf32, #tpu.memory_space<hbm>>) target(%arg6 : memref<128x128xf32, #tpu.memory_space<vmem>>) offsets(%arg5 : memref<128xi32, #tpu.memory_space<vmem>>) semaphore(%arg7 : memref<!tpu.dma_semaphore, #tpu.memory_space<semaphore_mem>>)
    %dma_wait3A = arith.constant 0 : i32
    %dma_wait3A_7 = arith.constant 0 : i32
    %dma_wait3A_8 = tpu.memref_slice %arg2[%dma_wait3A, %dma_wait3A_7] : memref<8192x128xf32, #tpu.memory_space<hbm>> -> memref<8192x128xf32, #tpu.memory_space<hbm>>
    tpu.wait_indirect_dma semaphore(%arg7 : memref<!tpu.dma_semaphore, #tpu.memory_space<semaphore_mem>>) src(%dma_wait3A_8 : memref<8192x128xf32, #tpu.memory_space<hbm>>) dst(%arg6 : memref<128x128xf32, #tpu.memory_space<vmem>>)
    "tpu.region"() ({
      %run_scoped3A = tpu.sem_alloc : memref<!tpu.dma_semaphore, #tpu.memory_space<semaphore_mem>>
      %dma_start3A_17 = arith.constant 0 : i32
      %dma_start3A_18 = tpu.memref_slice %arg4[%add3A_4, %dma_start3A_17] : memref<8192x128xf32, #tpu.memory_space<hbm>> -> memref<128x128xf32, #tpu.memory_space<hbm>>
      %dma_start3A_19 = arith.constant 0 : i32
      %dma_start3A_20 = tpu.memref_slice %arg4[%add3A_4, %dma_start3A_19] : memref<8192x128xf32, #tpu.memory_space<hbm>> -> memref<128x128xf32, #tpu.memory_space<hbm>>
      tpu.enqueue_dma source(%arg6 : memref<128x128xf32, #tpu.memory_space<vmem>>) target(%dma_start3A_20 : memref<128x128xf32, #tpu.memory_space<hbm>>) target_semaphore(%run_scoped3A : memref<!tpu.dma_semaphore, #tpu.memory_space<semaphore_mem>>)
      %dma_wait3A_21 = arith.constant 0 : i32
      %dma_wait3A_22 = tpu.memref_slice %arg4[%add3A_4, %dma_wait3A_21] : memref<8192x128xf32, #tpu.memory_space<hbm>> -> memref<128x128xf32, #tpu.memory_space<hbm>>
      %dma_wait3A_23 = arith.constant 0 : i32
      %dma_wait3A_24 = tpu.memref_slice %arg4[%add3A_4, %dma_wait3A_23] : memref<8192x128xf32, #tpu.memory_space<hbm>> -> memref<128x128xf32, #tpu.memory_space<hbm>>
      tpu.wait_dma2 semaphore(%run_scoped3A : memref<!tpu.dma_semaphore, #tpu.memory_space<semaphore_mem>>) src(%arg6 : memref<128x128xf32, #tpu.memory_space<vmem>>) dst(%dma_wait3A_24 : memref<128x128xf32, #tpu.memory_space<hbm>>)
      tpu.yield
    }) : () -> ()
    %add3A_9 = arith.constant 128 : i32
    %add3A_10 = arith.addi %mul3A_2, %add3A_9 : i32
    "tpu.region"() ({
      %run_scoped3A = tpu.sem_alloc : memref<!tpu.dma_semaphore, #tpu.memory_space<semaphore_mem>>
      %dma_start3A_17 = tpu.memref_slice %arg3[%add3A_10] : memref<8192xi32, #tpu.memory_space<hbm>> -> memref<128xi32, #tpu.memory_space<hbm>>
      %dma_start3A_18 = tpu.memref_slice %arg3[%add3A_10] : memref<8192xi32, #tpu.memory_space<hbm>> -> memref<128xi32, #tpu.memory_space<hbm>>
      tpu.enqueue_dma source(%dma_start3A_18 : memref<128xi32, #tpu.memory_space<hbm>>) target(%arg5 : memref<128xi32, #tpu.memory_space<vmem>>) target_semaphore(%run_scoped3A : memref<!tpu.dma_semaphore, #tpu.memory_space<semaphore_mem>>)
      %dma_wait3A_19 = tpu.memref_slice %arg3[%add3A_10] : memref<8192xi32, #tpu.memory_space<hbm>> -> memref<128xi32, #tpu.memory_space<hbm>>
      %dma_wait3A_20 = tpu.memref_slice %arg3[%add3A_10] : memref<8192xi32, #tpu.memory_space<hbm>> -> memref<128xi32, #tpu.memory_space<hbm>>
      tpu.wait_dma2 semaphore(%run_scoped3A : memref<!tpu.dma_semaphore, #tpu.memory_space<semaphore_mem>>) src(%dma_wait3A_20 : memref<128xi32, #tpu.memory_space<hbm>>) dst(%arg5 : memref<128xi32, #tpu.memory_space<vmem>>)
      tpu.yield
    }) : () -> ()
    %dma_start3A_11 = arith.constant 0 : i32
    %dma_start3A_12 = arith.constant 0 : i32
    %dma_start3A_13 = tpu.memref_slice %arg2[%dma_start3A_11, %dma_start3A_12] : memref<8192x128xf32, #tpu.memory_space<hbm>> -> memref<8192x128xf32, #tpu.memory_space<hbm>>
    tpu.enqueue_indirect_dma source(%dma_start3A_13 : memref<8192x128xf32, #tpu.memory_space<hbm>>) target(%arg6 : memref<128x128xf32, #tpu.memory_space<vmem>>) offsets(%arg5 : memref<128xi32, #tpu.memory_space<vmem>>) semaphore(%arg7 : memref<!tpu.dma_semaphore, #tpu.memory_space<semaphore_mem>>)
    %dma_wait3A_14 = arith.constant 0 : i32
    %dma_wait3A_15 = arith.constant 0 : i32
    %dma_wait3A_16 = tpu.memref_slice %arg2[%dma_wait3A_14, %dma_wait3A_15] : memref<8192x128xf32, #tpu.memory_space<hbm>> -> memref<8192x128xf32, #tpu.memory_space<hbm>>
    tpu.wait_indirect_dma semaphore(%arg7 : memref<!tpu.dma_semaphore, #tpu.memory_space<semaphore_mem>>) src(%dma_wait3A_16 : memref<8192x128xf32, #tpu.memory_space<hbm>>) dst(%arg6 : memref<128x128xf32, #tpu.memory_space<vmem>>)
    "tpu.region"() ({
      %run_scoped3A = tpu.sem_alloc : memref<!tpu.dma_semaphore, #tpu.memory_space<semaphore_mem>>
      %dma_start3A_17 = arith.constant 0 : i32
      %dma_start3A_18 = tpu.memref_slice %arg4[%add3A_10, %dma_start3A_17] : memref<8192x128xf32, #tpu.memory_space<hbm>> -> memref<128x128xf32, #tpu.memory_space<hbm>>
      %dma_start3A_19 = arith.constant 0 : i32
      %dma_start3A_20 = tpu.memref_slice %arg4[%add3A_10, %dma_start3A_19] : memref<8192x128xf32, #tpu.memory_space<hbm>> -> memref<128x128xf32, #tpu.memory_space<hbm>>
      tpu.enqueue_dma source(%arg6 : memref<128x128xf32, #tpu.memory_space<vmem>>) target(%dma_start3A_20 : memref<128x128xf32, #tpu.memory_space<hbm>>) target_semaphore(%run_scoped3A : memref<!tpu.dma_semaphore, #tpu.memory_space<semaphore_mem>>)
      %dma_wait3A_21 = arith.constant 0 : i32
      %dma_wait3A_22 = tpu.memref_slice %arg4[%add3A_10, %dma_wait3A_21] : memref<8192x128xf32, #tpu.memory_space<hbm>> -> memref<128x128xf32, #tpu.memory_space<hbm>>
      %dma_wait3A_23 = arith.constant 0 : i32
      %dma_wait3A_24 = tpu.memref_slice %arg4[%add3A_10, %dma_wait3A_23] : memref<8192x128xf32, #tpu.memory_space<hbm>> -> memref<128x128xf32, #tpu.memory_space<hbm>>
      tpu.wait_dma2 semaphore(%run_scoped3A : memref<!tpu.dma_semaphore, #tpu.memory_space<semaphore_mem>>) src(%arg6 : memref<128x128xf32, #tpu.memory_space<vmem>>) dst(%dma_wait3A_24 : memref<128x128xf32, #tpu.memory_space<hbm>>)
      tpu.yield
    }) : () -> ()
    return
  }
}

module attributes {stable_mosaic.version = 14 : i64} {
  func.func @_tc_body(%arg0: i32, %arg1: memref<1024x32xf32, #tpu.memory_space<vmem>>, %arg2: memref<32x8192xf32, #tpu.memory_space<vmem>>, %arg3: memref<1024xi32, #tpu.memory_space<vmem>>, %arg4: memref<1x1xf32, #tpu.memory_space<smem>>, %arg5: memref<8192x128xf32, #tpu.memory_space<vmem>>, %arg6: memref<1x1xf32, #tpu.memory_space<smem>>, %arg7: memref<1x8192xf32, #tpu.memory_space<vmem>>) attributes {dimension_semantics = [#tpu.dimension_semantics<arbitrary>], iteration_bounds = array<i64: 8>, scalar_prefetch = 0 : i64, scratch_operands = 2 : i64, tpu.core_type = #tpu.core_type<tc>, window_params = [{transform_indices = @transform_0, window_bounds = array<i64: 1024, 32>}, {pipeline_mode = #tpu.pipeline_mode<synchronous>, transform_indices = @transform_1, window_bounds = array<i64: 32, 8192>}, {transform_indices = @transform_2, window_bounds = array<i64: 1024>}, {transform_indices = @transform_3, window_bounds = array<i64: 1, 1>}, {pipeline_mode = #tpu.pipeline_mode<synchronous>, transform_indices = @transform_4, window_bounds = array<i64: 8192, 128>}]} {
    %iota3A = tpu.iota {dimensions = array<i32: 1>} : vector<1024x32xi32>
    %lt3A = arith.constant 32 : i32
    %lt3A_0 = vector.broadcast %lt3A : i32 to vector<1024x32xi32>
    %lt3A_1 = arith.cmpi slt, %iota3A, %lt3A_0 : vector<1024x32xi32>
    %get3A = arith.constant 0 : index
    %get3A_2 = arith.constant 0 : index
    %get3A_3 = vector.load %arg1[%get3A, %get3A_2] : memref<1024x32xf32, #tpu.memory_space<vmem>>, vector<1024x32xf32>
    %jit3A = arith.constant 0.000000e+00 : f32
    %broadcast_in_dim3A = vector.broadcast %jit3A : f32 to vector<1024x32xf32>
    %select_n3A = arith.select %lt3A_1, %get3A_3, %broadcast_in_dim3A : vector<1024x32xi1>, vector<1024x32xf32>
    %get3A_4 = arith.constant 0 : index
    %get3A_5 = arith.constant 0 : index
    %get3A_6 = vector.load %arg2[%get3A_4, %get3A_5] : memref<32x8192xf32, #tpu.memory_space<vmem>>, vector<32x8192xf32>
    %mul3A = arith.mulf %select_n3A, %select_n3A : vector<1024x32xf32>
    %reduce_sum3A = arith.constant dense<0.000000e+00> : vector<1024xf32>
    %reduce_sum3A_7 = vector.multi_reduction <add>, %mul3A, %reduce_sum3A [1] : vector<1024x32xf32> to vector<1024xf32>
    %broadcast_in_dim3A_8 = vector.shape_cast %reduce_sum3A_7 : vector<1024xf32> to vector<1024x1xf32>
    %mul3A_9 = arith.constant -2.000000e+00 : f32
    %mul3A_10 = vector.broadcast %mul3A_9 : f32 to vector<1024x32xf32>
    %mul3A_11 = arith.mulf %mul3A_10, %select_n3A : vector<1024x32xf32>
    %eq3A = arith.constant 0 : i32
    %eq3A_12 = arith.cmpi eq, %arg0, %eq3A : i32
    %convert_element_type3A = arith.extui %eq3A_12 : i1 to i32
    %cond3A = arith.constant 0 : i32
    %cond3A_13 = arith.cmpi ne, %convert_element_type3A, %cond3A : i32
    scf.if %cond3A_13 {
      %mul3A_154 = arith.mulf %get3A_6, %get3A_6 : vector<32x8192xf32>
      %reduce_sum3A_155 = arith.constant dense<0.000000e+00> : vector<8192xf32>
      %reduce_sum3A_156 = vector.multi_reduction <add>, %mul3A_154, %reduce_sum3A_155 [0] : vector<32x8192xf32> to vector<8192xf32>
      %broadcast_in_dim3A_157 = vector.shape_cast %reduce_sum3A_156 : vector<8192xf32> to vector<1x8192xf32>
      %swap3A_158 = arith.constant 0 : index
      %swap3A_159 = arith.constant 0 : index
      %swap3A_160 = vector.load %arg7[%swap3A_158, %swap3A_159] : memref<1x8192xf32, #tpu.memory_space<vmem>>, vector<1x8192xf32>
      tpu.vector_store %arg7[%swap3A_158, %swap3A_159], %broadcast_in_dim3A_157 {strides = array<i32>} : memref<1x8192xf32, #tpu.memory_space<vmem>>, vector<1x8192xf32>,
    } else {
    }
    %get3A_14 = arith.constant 0 : index
    %get3A_15 = arith.constant 0 : index
    %get3A_16 = vector.load %arg7[%get3A_14, %get3A_15] : memref<1x8192xf32, #tpu.memory_space<vmem>>, vector<1x8192xf32>
    %slice3A = vector.extract_strided_slice %get3A_6 {offsets = [0, 0], sizes = [32, 2048], strides = [1, 1]} : vector<32x8192xf32> to vector<32x2048xf32>
    %dot_general3A = arith.constant dense<0.000000e+00> : vector<1024x2048xf32>
    %dot_general3A_17 = tpu.matmul %mul3A_11, %slice3A, %dot_general3A {dimension_numbers = #tpu.dot_dimension_numbers<[1], [0], [0], [1], [0, 0, 1, 1], [], []>, transpose_lhs_hint = false} : vector<1024x32xf32>, vector<32x2048xf32>, vector<1024x2048xf32> -> vector<1024x2048xf32>
    %add3A = vector.broadcast %broadcast_in_dim3A_8 : vector<1024x1xf32> to vector<1024x2048xf32>
    %add3A_18 = arith.addf %add3A, %dot_general3A_17 : vector<1024x2048xf32>
    %slice3A_19 = vector.extract_strided_slice %get3A_16 {offsets = [0, 0], sizes = [1, 2048], strides = [1, 1]} : vector<1x8192xf32> to vector<1x2048xf32>
    %add3A_20 = vector.broadcast %slice3A_19 : vector<1x2048xf32> to vector<1024x2048xf32>
    %add3A_21 = arith.addf %add3A_18, %add3A_20 : vector<1024x2048xf32>
    %reduce_min3A = arith.constant dense<0x7F800000> : vector<1024xf32>
    %reduce_min3A_22 = vector.multi_reduction <minimumf>, %add3A_21, %reduce_min3A [1] : vector<1024x2048xf32> to vector<1024xf32>
    %broadcast_in_dim3A_23 = vector.shape_cast %reduce_min3A_22 : vector<1024xf32> to vector<1024x1xf32>
    %iota3A_24 = tpu.iota {dimensions = array<i32: 1>} : vector<1024x2048xi32>
    %add3A_25 = arith.constant 0 : i32
    %add3A_26 = vector.broadcast %add3A_25 : i32 to vector<1024x2048xi32>
    %add3A_27 = arith.addi %iota3A_24, %add3A_26 : vector<1024x2048xi32>
    %eq3A_28 = vector.broadcast %broadcast_in_dim3A_23 : vector<1024x1xf32> to vector<1024x2048xf32>
    %eq3A_29 = arith.cmpf oeq, %add3A_21, %eq3A_28 : vector<1024x2048xf32>
    %jit3A_30 = arith.constant 8192 : i32
    %broadcast_in_dim3A_31 = vector.broadcast %jit3A_30 : i32 to vector<1024x2048xi32>
    %select_n3A_32 = arith.select %eq3A_29, %add3A_27, %broadcast_in_dim3A_31 : vector<1024x2048xi1>, vector<1024x2048xi32>
    %reduce_min3A_33 = arith.constant dense<2147483647> : vector<1024xi32>
    %reduce_min3A_34 = vector.multi_reduction <minsi>, %select_n3A_32, %reduce_min3A_33 [1] : vector<1024x2048xi32> to vector<1024xi32>
    %squeeze3A = vector.shape_cast %broadcast_in_dim3A_23 : vector<1024x1xf32> to vector<1024xf32>
    %convert_element_type3A_35 = arith.truncf %squeeze3A : vector<1024xf32> to vector<1024xbf16>
    %convert_element_type3A_36 = arith.extf %convert_element_type3A_35 : vector<1024xbf16> to vector<1024xf32>
    %slice3A_37 = vector.extract_strided_slice %get3A_6 {offsets = [0, 2048], sizes = [32, 2048], strides = [1, 1]} : vector<32x8192xf32> to vector<32x2048xf32>
    %dot_general3A_38 = arith.constant dense<0.000000e+00> : vector<1024x2048xf32>
    %dot_general3A_39 = tpu.matmul %mul3A_11, %slice3A_37, %dot_general3A_38 {dimension_numbers = #tpu.dot_dimension_numbers<[1], [0], [0], [1], [0, 0, 1, 1], [], []>, transpose_lhs_hint = false} : vector<1024x32xf32>, vector<32x2048xf32>, vector<1024x2048xf32> -> vector<1024x2048xf32>
    %add3A_40 = vector.broadcast %broadcast_in_dim3A_8 : vector<1024x1xf32> to vector<1024x2048xf32>
    %add3A_41 = arith.addf %add3A_40, %dot_general3A_39 : vector<1024x2048xf32>
    %slice3A_42 = vector.extract_strided_slice %get3A_16 {offsets = [0, 2048], sizes = [1, 2048], strides = [1, 1]} : vector<1x8192xf32> to vector<1x2048xf32>
    %add3A_43 = vector.broadcast %slice3A_42 : vector<1x2048xf32> to vector<1024x2048xf32>
    %add3A_44 = arith.addf %add3A_41, %add3A_43 : vector<1024x2048xf32>
    %reduce_min3A_45 = arith.constant dense<0x7F800000> : vector<1024xf32>
    %reduce_min3A_46 = vector.multi_reduction <minimumf>, %add3A_44, %reduce_min3A_45 [1] : vector<1024x2048xf32> to vector<1024xf32>
    %broadcast_in_dim3A_47 = vector.shape_cast %reduce_min3A_46 : vector<1024xf32> to vector<1024x1xf32>
    %iota3A_48 = tpu.iota {dimensions = array<i32: 1>} : vector<1024x2048xi32>
    %add3A_49 = arith.constant 2048 : i32
    %add3A_50 = vector.broadcast %add3A_49 : i32 to vector<1024x2048xi32>
    %add3A_51 = arith.addi %iota3A_48, %add3A_50 : vector<1024x2048xi32>
    %eq3A_52 = vector.broadcast %broadcast_in_dim3A_47 : vector<1024x1xf32> to vector<1024x2048xf32>
    %eq3A_53 = arith.cmpf oeq, %add3A_44, %eq3A_52 : vector<1024x2048xf32>
    %jit3A_54 = arith.constant 8192 : i32
    %broadcast_in_dim3A_55 = vector.broadcast %jit3A_54 : i32 to vector<1024x2048xi32>
    %select_n3A_56 = arith.select %eq3A_53, %add3A_51, %broadcast_in_dim3A_55 : vector<1024x2048xi1>, vector<1024x2048xi32>
    %reduce_min3A_57 = arith.constant dense<2147483647> : vector<1024xi32>
    %reduce_min3A_58 = vector.multi_reduction <minsi>, %select_n3A_56, %reduce_min3A_57 [1] : vector<1024x2048xi32> to vector<1024xi32>
    %squeeze3A_59 = vector.shape_cast %broadcast_in_dim3A_47 : vector<1024x1xf32> to vector<1024xf32>
    %lt3A_60 = arith.cmpf olt, %convert_element_type3A_36, %squeeze3A_59 : vector<1024xf32>
    %eq3A_61 = arith.cmpf oeq, %convert_element_type3A_36, %squeeze3A_59 : vector<1024xf32>
    %lt3A_62 = arith.cmpi slt, %reduce_min3A_34, %reduce_min3A_58 : vector<1024xi32>
    %and3A = arith.andi %eq3A_61, %lt3A_62 : vector<1024xi1>
    %or3A = arith.ori %lt3A_60, %and3A : vector<1024xi1>
    %select_n3A_63 = arith.select %or3A, %reduce_min3A_34, %reduce_min3A_58 : vector<1024xi1>, vector<1024xi32>
    %select_n3A_64 = arith.select %or3A, %squeeze3A, %squeeze3A_59 : vector<1024xi1>, vector<1024xf32>
    %select_n3A_65 = arith.select %or3A, %convert_element_type3A_36, %squeeze3A_59 : vector<1024xi1>, vector<1024xf32>
    %convert_element_type3A_66 = arith.truncf %select_n3A_65 : vector<1024xf32> to vector<1024xbf16>
    %convert_element_type3A_67 = arith.extf %convert_element_type3A_66 : vector<1024xbf16> to vector<1024xf32>
    %slice3A_68 = vector.extract_strided_slice %get3A_6 {offsets = [0, 4096], sizes = [32, 2048], strides = [1, 1]} : vector<32x8192xf32> to vector<32x2048xf32>
    %dot_general3A_69 = arith.constant dense<0.000000e+00> : vector<1024x2048xf32>
    %dot_general3A_70 = tpu.matmul %mul3A_11, %slice3A_68, %dot_general3A_69 {dimension_numbers = #tpu.dot_dimension_numbers<[1], [0], [0], [1], [0, 0, 1, 1], [], []>, transpose_lhs_hint = false} : vector<1024x32xf32>, vector<32x2048xf32>, vector<1024x2048xf32> -> vector<1024x2048xf32>
    %add3A_71 = vector.broadcast %broadcast_in_dim3A_8 : vector<1024x1xf32> to vector<1024x2048xf32>
    %add3A_72 = arith.addf %add3A_71, %dot_general3A_70 : vector<1024x2048xf32>
    %slice3A_73 = vector.extract_strided_slice %get3A_16 {offsets = [0, 4096], sizes = [1, 2048], strides = [1, 1]} : vector<1x8192xf32> to vector<1x2048xf32>
    %add3A_74 = vector.broadcast %slice3A_73 : vector<1x2048xf32> to vector<1024x2048xf32>
    %add3A_75 = arith.addf %add3A_72, %add3A_74 : vector<1024x2048xf32>
    %reduce_min3A_76 = arith.constant dense<0x7F800000> : vector<1024xf32>
    %reduce_min3A_77 = vector.multi_reduction <minimumf>, %add3A_75, %reduce_min3A_76 [1] : vector<1024x2048xf32> to vector<1024xf32>
    %broadcast_in_dim3A_78 = vector.shape_cast %reduce_min3A_77 : vector<1024xf32> to vector<1024x1xf32>
    %iota3A_79 = tpu.iota {dimensions = array<i32: 1>} : vector<1024x2048xi32>
    %add3A_80 = arith.constant 4096 : i32
    %add3A_81 = vector.broadcast %add3A_80 : i32 to vector<1024x2048xi32>
    %add3A_82 = arith.addi %iota3A_79, %add3A_81 : vector<1024x2048xi32>
    %eq3A_83 = vector.broadcast %broadcast_in_dim3A_78 : vector<1024x1xf32> to vector<1024x2048xf32>
    %eq3A_84 = arith.cmpf oeq, %add3A_75, %eq3A_83 : vector<1024x2048xf32>
    %jit3A_85 = arith.constant 8192 : i32
    %broadcast_in_dim3A_86 = vector.broadcast %jit3A_85 : i32 to vector<1024x2048xi32>
    %select_n3A_87 = arith.select %eq3A_84, %add3A_82, %broadcast_in_dim3A_86 : vector<1024x2048xi1>, vector<1024x2048xi32>
    %reduce_min3A_88 = arith.constant dense<2147483647> : vector<1024xi32>
    %reduce_min3A_89 = vector.multi_reduction <minsi>, %select_n3A_87, %reduce_min3A_88 [1] : vector<1024x2048xi32> to vector<1024xi32>
    %squeeze3A_90 = vector.shape_cast %broadcast_in_dim3A_78 : vector<1024x1xf32> to vector<1024xf32>
    %lt3A_91 = arith.cmpf olt, %convert_element_type3A_67, %squeeze3A_90 : vector<1024xf32>
    %eq3A_92 = arith.cmpf oeq, %convert_element_type3A_67, %squeeze3A_90 : vector<1024xf32>
    %lt3A_93 = arith.cmpi slt, %select_n3A_63, %reduce_min3A_89 : vector<1024xi32>
    %and3A_94 = arith.andi %eq3A_92, %lt3A_93 : vector<1024xi1>
    %or3A_95 = arith.ori %lt3A_91, %and3A_94 : vector<1024xi1>
    %select_n3A_96 = arith.select %or3A_95, %select_n3A_63, %reduce_min3A_89 : vector<1024xi1>, vector<1024xi32>
    %select_n3A_97 = arith.select %or3A_95, %select_n3A_64, %squeeze3A_90 : vector<1024xi1>, vector<1024xf32>
    %select_n3A_98 = arith.select %or3A_95, %convert_element_type3A_67, %squeeze3A_90 : vector<1024xi1>, vector<1024xf32>
    %convert_element_type3A_99 = arith.truncf %select_n3A_98 : vector<1024xf32> to vector<1024xbf16>
    %convert_element_type3A_100 = arith.extf %convert_element_type3A_99 : vector<1024xbf16> to vector<1024xf32>
    %slice3A_101 = vector.extract_strided_slice %get3A_6 {offsets = [0, 6144], sizes = [32, 2048], strides = [1, 1]} : vector<32x8192xf32> to vector<32x2048xf32>
    %dot_general3A_102 = arith.constant dense<0.000000e+00> : vector<1024x2048xf32>
    %dot_general3A_103 = tpu.matmul %mul3A_11, %slice3A_101, %dot_general3A_102 {dimension_numbers = #tpu.dot_dimension_numbers<[1], [0], [0], [1], [0, 0, 1, 1], [], []>, transpose_lhs_hint = false} : vector<1024x32xf32>, vector<32x2048xf32>, vector<1024x2048xf32> -> vector<1024x2048xf32>
    %add3A_104 = vector.broadcast %broadcast_in_dim3A_8 : vector<1024x1xf32> to vector<1024x2048xf32>
    %add3A_105 = arith.addf %add3A_104, %dot_general3A_103 : vector<1024x2048xf32>
    %slice3A_106 = vector.extract_strided_slice %get3A_16 {offsets = [0, 6144], sizes = [1, 2048], strides = [1, 1]} : vector<1x8192xf32> to vector<1x2048xf32>
    %add3A_107 = vector.broadcast %slice3A_106 : vector<1x2048xf32> to vector<1024x2048xf32>
    %add3A_108 = arith.addf %add3A_105, %add3A_107 : vector<1024x2048xf32>
    %reduce_min3A_109 = arith.constant dense<0x7F800000> : vector<1024xf32>
    %reduce_min3A_110 = vector.multi_reduction <minimumf>, %add3A_108, %reduce_min3A_109 [1] : vector<1024x2048xf32> to vector<1024xf32>
    %broadcast_in_dim3A_111 = vector.shape_cast %reduce_min3A_110 : vector<1024xf32> to vector<1024x1xf32>
    %iota3A_112 = tpu.iota {dimensions = array<i32: 1>} : vector<1024x2048xi32>
    %add3A_113 = arith.constant 6144 : i32
    %add3A_114 = vector.broadcast %add3A_113 : i32 to vector<1024x2048xi32>
    %add3A_115 = arith.addi %iota3A_112, %add3A_114 : vector<1024x2048xi32>
    %eq3A_116 = vector.broadcast %broadcast_in_dim3A_111 : vector<1024x1xf32> to vector<1024x2048xf32>
    %eq3A_117 = arith.cmpf oeq, %add3A_108, %eq3A_116 : vector<1024x2048xf32>
    %jit3A_118 = arith.constant 8192 : i32
    %broadcast_in_dim3A_119 = vector.broadcast %jit3A_118 : i32 to vector<1024x2048xi32>
    %select_n3A_120 = arith.select %eq3A_117, %add3A_115, %broadcast_in_dim3A_119 : vector<1024x2048xi1>, vector<1024x2048xi32>
    %reduce_min3A_121 = arith.constant dense<2147483647> : vector<1024xi32>
    %reduce_min3A_122 = vector.multi_reduction <minsi>, %select_n3A_120, %reduce_min3A_121 [1] : vector<1024x2048xi32> to vector<1024xi32>
    %squeeze3A_123 = vector.shape_cast %broadcast_in_dim3A_111 : vector<1024x1xf32> to vector<1024xf32>
    %lt3A_124 = arith.cmpf olt, %convert_element_type3A_100, %squeeze3A_123 : vector<1024xf32>
    %eq3A_125 = arith.cmpf oeq, %convert_element_type3A_100, %squeeze3A_123 : vector<1024xf32>
    %lt3A_126 = arith.cmpi slt, %select_n3A_96, %reduce_min3A_122 : vector<1024xi32>
    %and3A_127 = arith.andi %eq3A_125, %lt3A_126 : vector<1024xi1>
    %or3A_128 = arith.ori %lt3A_124, %and3A_127 : vector<1024xi1>
    %select_n3A_129 = arith.select %or3A_128, %select_n3A_96, %reduce_min3A_122 : vector<1024xi1>, vector<1024xi32>
    %select_n3A_130 = arith.select %or3A_128, %select_n3A_97, %squeeze3A_123 : vector<1024xi1>, vector<1024xf32>
    %swap3A = arith.constant 0 : index
    %swap3A_131 = vector.load %arg3[%swap3A] : memref<1024xi32, #tpu.memory_space<vmem>>, vector<1024xi32>
    tpu.vector_store %arg3[%swap3A], %select_n3A_129 {strides = array<i32>} : memref<1024xi32, #tpu.memory_space<vmem>>, vector<1024xi32>,
    %eq3A_132 = arith.constant 0 : i32
    %eq3A_133 = arith.cmpi eq, %arg0, %eq3A_132 : i32
    %convert_element_type3A_134 = arith.extui %eq3A_133 : i1 to i32
    %cond3A_135 = arith.constant 0 : i32
    %cond3A_136 = arith.cmpi ne, %convert_element_type3A_134, %cond3A_135 : i32
    scf.if %cond3A_136 {
      %swap3A_154 = arith.constant 0.000000e+00 : f32
      %swap3A_155 = arith.constant 0 : index
      %swap3A_156 = arith.constant 0 : index
      %swap3A_157 = memref.load %arg6[%swap3A_155, %swap3A_156] : memref<1x1xf32, #tpu.memory_space<smem>>
      memref.store %swap3A_154, %arg6[%swap3A_155, %swap3A_156] : memref<1x1xf32, #tpu.memory_space<smem>>
      %transpose3A = tpu.transpose %get3A_6, [1, 0] : vector<32x8192xf32> -> vector<8192x32xf32>
      %broadcast_in_dim3A_158 = arith.constant 0.000000e+00 : f32
      %broadcast_in_dim3A_159 = vector.broadcast %broadcast_in_dim3A_158 : f32 to vector<8192x96xf32>
      %concatenate3A = tpu.concatenate %transpose3A, %broadcast_in_dim3A_159 in 1 : vector<8192x32xf32>, vector<8192x96xf32> -> vector<8192x128xf32>
      %swap3A_160 = arith.constant 0 : index
      %swap3A_161 = arith.constant 0 : index
      %swap3A_162 = vector.load %arg5[%swap3A_160, %swap3A_161] : memref<8192x128xf32, #tpu.memory_space<vmem>>, vector<8192x128xf32>
      tpu.vector_store %arg5[%swap3A_160, %swap3A_161], %concatenate3A {strides = array<i32>} : memref<8192x128xf32, #tpu.memory_space<vmem>>, vector<8192x128xf32>,
    } else {
    }
    %get3A_137 = arith.constant 0 : index
    %get3A_138 = arith.constant 0 : index
    %get3A_139 = memref.load %arg6[%get3A_137, %get3A_138] : memref<1x1xf32, #tpu.memory_space<smem>>
    %reduce_sum3A_140 = vector.shape_cast %select_n3A_130 : vector<1024xf32> to vector<1x1024xf32>
    %reduce_sum3A_141 = arith.constant dense<0.000000e+00> : vector<1xf32>
    %reduce_sum3A_142 = vector.multi_reduction <add>, %reduce_sum3A_140, %reduce_sum3A_141 [1] : vector<1x1024xf32> to vector<1xf32>
    %reduce_sum3A_143 = vector.shape_cast %reduce_sum3A_142 : vector<1xf32> to vector<1x1xf32>
    %reduce_sum3A_144 = vector.extract %reduce_sum3A_143[0, 0] : f32 from vector<1x1xf32>
    %add3A_145 = arith.addf %get3A_139, %reduce_sum3A_144 : f32
    %swap3A_146 = arith.constant 0 : index
    %swap3A_147 = arith.constant 0 : index
    %swap3A_148 = memref.load %arg6[%swap3A_146, %swap3A_147] : memref<1x1xf32, #tpu.memory_space<smem>>
    memref.store %add3A_145, %arg6[%swap3A_146, %swap3A_147] : memref<1x1xf32, #tpu.memory_space<smem>>
    %eq3A_149 = arith.constant 7 : i32
    %eq3A_150 = arith.cmpi eq, %arg0, %eq3A_149 : i32
    %convert_element_type3A_151 = arith.extui %eq3A_150 : i1 to i32
    %cond3A_152 = arith.constant 0 : i32
    %cond3A_153 = arith.cmpi ne, %convert_element_type3A_151, %cond3A_152 : i32
    scf.if %cond3A_153 {
      %get3A_154 = arith.constant 0 : index
      %get3A_155 = arith.constant 0 : index
      %get3A_156 = memref.load %arg6[%get3A_154, %get3A_155] : memref<1x1xf32, #tpu.memory_space<smem>>
      %mul3A_157 = arith.constant 4.76837158E-6 : f32
      %mul3A_158 = arith.mulf %get3A_156, %mul3A_157 : f32
      %swap3A_159 = arith.constant 0 : index
      %swap3A_160 = arith.constant 0 : index
      %swap3A_161 = memref.load %arg4[%swap3A_159, %swap3A_160] : memref<1x1xf32, #tpu.memory_space<smem>>
      memref.store %mul3A_158, %arg4[%swap3A_159, %swap3A_160] : memref<1x1xf32, #tpu.memory_space<smem>>
    } else {
    }
    return
  }
  func.func @transform_0(%arg0: i32) -> (i32, i32) {
    %c0_i32 = arith.constant 0 : i32
    %c0_i32_0 = arith.constant 0 : i32
    return %arg0, %c0_i32 : i32, i32
  }
  func.func @transform_1(%arg0: i32) -> (i32, i32) {
    %c0_i32 = arith.constant 0 : i32
    %c0_i32_0 = arith.constant 0 : i32
    %c0_i32_1 = arith.constant 0 : i32
    return %c0_i32, %c0_i32_0 : i32, i32
  }
  func.func @transform_2(%arg0: i32) -> i32 {
    %c0_i32 = arith.constant 0 : i32
    return %arg0 : i32
  }
  func.func @transform_3(%arg0: i32) -> (i32, i32) {
    %c0_i32 = arith.constant 0 : i32
    %c0_i32_0 = arith.constant 0 : i32
    %c0_i32_1 = arith.constant 0 : i32
    return %c0_i32, %c0_i32_0 : i32, i32
  }
  func.func @transform_4(%arg0: i32) -> (i32, i32) {
    %c0_i32 = arith.constant 0 : i32
    %c0_i32_0 = arith.constant 0 : i32
    %c0_i32_1 = arith.constant 0 : i32
    return %c0_i32, %c0_i32_0 : i32, i32
  }
}

</mosaic_0001>

<sc_bundles>
// kernel: kernel.4.cloned.1.call-start
scs
__scs_entry_jumppad:
0x0: {  	(pc) =	sbr.rel $0x88, $3  }
0x1: {  	(tag) =	ssettag $0x0;
	lr =	simm.s32 $0x1  }
0x2: {  	[smem:$0x3F9F] =	sst lr;
	_ =	strace $0xD0000000  }
0x3: {  	_ = 	snop  }
0x4: {  	_ = 	snop  }
0x5: {  	_ = 	snop  }
0x6: {  	_ = 	snop  }
0x7: {  	_ = 	snop  }
__scs_overlays_trampoline_lowered:
0x8: {  	[smem:$0x3FAE] =	sst s0  }
0x9: {  	[smem:$0x3FAF] =	sst s1  }
0xa: {  	[smem:$0x3FB0] =	sst s2  }
0xb: {  	[smem:$0x3FB1] =	sst s3  }
0xc: {  	[smem:$0x3FB2] =	sst s4  }
0xd: {  	[smem:$0x3FB3] =	sst s5  }
0xe: {  	[smem:$0x3FB4] =	sst s6  }
0xf: {  	[smem:$0x3FB5] =	sst s7  }
0x10: {  	[smem:$0x3FB6] =	sst s8  }
0x11: {  	[smem:$0x3FB7] =	sst s9;
	s0 =	simm.s32 @!p0 $0x0  }
0x12: {  	s1 =	sld [smem:$0x3F9D];
	s0 =	simm.s32 @p0 $0x1  }
0x13: {  	[smem:$0x3FB8] =	sst s0;
	s0 =	simm.s32 @!p1 $0x0  }
0x14: {  	s2 =	sld [smem:$0x3F9C];
	s0 =	simm.s32 @p1 $0x1  }
0x15: {  	[smem:$0x3FB9] =	sst s0;
	s0 =	simm.s32 @!p2 $0x0  }
0x16: {  	s3 =	sld [smem:$0x3FDB];
	s0 =	simm.s32 @p2 $0x1  }
0x17: {  	s4 =	simm.s32 $0x1BF5;
	[smem:$0x3FBB] =	sst s0  }
0x18: {  	s0 =	sld [smem:$0x3F9E];
	_ =	swait.ge [sflag:s4], $0x0  }
0x19: {  	s7 =	sld [smem:$0x3F9F]  }
0x1a: {  	s8 =	sadd.s32 $0xFFFFE003, lr  }
0x1b: {  	s9 =	sadd.s32 $0xFFFFFEF7, lr;
	s5 =	simm.s32 $0xFFFFFFFF;
	p2 =	slt.u32 s8, $0xFFFFF086  }
0x1c: {  	p1 =	slt.u32 s9, $0xF7A;
	s5 =	simm.s32 @!p2 $0x0  }
0x1d: {  	s5 =	simm.s32 @p1 $0x1;
	p0 =	seq.s32 s7, s2  }
0x1e: {  	s7 =	smul.u32 @!p0 $0xF7A, s2;
	p2 =	seq.s32 @!p0 s5, $0x0  }
0x1f: {  	s9 =	smul.u32 $0xF7A, s1;
	s8 =	simm.s32 @!p0 $0x1BF5;
	p2 =	por !p2, p0  }
0x20: {  	[sflag:s8] =	ssyncset.s32 @!p0 $0xFFFFF086;
	s6 =	sadd.s32 @!p0 s3, s7;
	s7 =	simm.s32 @!p0 $0x108  }
0x21: {  	s3 =	sadd.s32 s3, s9;
	s6 =	sadd.s32 @!p0 $0x88, s6;
	s7 =	simm.s32 @p2 $0x1082  }
0x22: {  	[simem:s7], [sflag:s8] =	dma.local @!p0 [hbm:s6], $0xF7A  }
0x23: {  	s9 =	sor.u32 $0xD0000000, s2;
	s6 =	simm.s32 $0x108;
	_ =	swait.ge @!p0 [sflag:s8], $0x0  }
0x24: {  	s3 =	sadd.s32 $0x88, s3;
	s6 =	simm.s32 @!p1 $0x1082;
	[sflag:s4] =	ssyncset.s32 $0xFFFFF086  }
0x25: {  	[simem:s6], [sflag:s4] =	dma.local [hbm:s3], $0xF7A  }
0x26: {  	[smem:$0x3F9F] =	sst s1;
	(tag) =	ssettag s2;
	_ =	strace s9  }
0x27: {  	s1 =	sld [smem:$0x3FAF]  }
0x28: {  	s2 =	sld [smem:$0x3FB0]  }
0x29: {  	s4 =	sld [smem:$0x3FB2]  }
0x2a: {  	p0 =	seq.s32 s5, $0x0;
	s5 =	sld [smem:$0x3FB3]  }
0x2b: {  	s6 =	sld [smem:$0x3FB4]  }
0x2c: {  	s7 =	sld [smem:$0x3FB5]  }
0x2d: {  	s3 =	simm.s32 $0x108;
	s8 =	sld [smem:$0x3FB6]  }
0x2e: {  	s3 =	simm.s32 @!p0 $0x1082;
	s9 =	sld [smem:$0x3FB7]  }
0x2f: {  	lr =	sadd.s32 s0, s3;
	s0 =	sld [smem:$0x3FAE]  }
0x30: {  	s3 =	sld [smem:$0x3FB1]  }
0x31: {  	[smem:$0x3FBA] =	sst s10  }
0x32: {  	s10 =	sld [smem:$0x3FB8];
	_ =	sdelay $0x3  }
0x33: {  	p0 =	seq.s32 s10, $0x1;
	s10 =	sld [smem:$0x3FBA];
	_ =	sdelay $0x3  }
0x34: {  	[smem:$0x3FBA] =	sst s10  }
0x35: {  	s10 =	sld [smem:$0x3FB9];
	_ =	sdelay $0x3  }
0x36: {  	p1 =	seq.s32 s10, $0x1;
	s10 =	sld [smem:$0x3FBA];
	_ =	sdelay $0x3  }
0x37: {  	[smem:$0x3FBA] =	sst s10  }
0x38: {  	s10 =	sld [smem:$0x3FBB]  }
0x39: {  	_ = 	snop;
	(pc) =	sbr.ind lr, $3  }
0x3a: {  	_ = 	snop  }
0x3b: {  	_ = 	snop  }
0x3c: {  	p2 =	seq.s32 s10, $0x1;
	s10 =	sld [smem:$0x3FBA]  }
0x3d: {  	_ =	shalt  }
0x3e: {  	_ =	shalt  }
0x3f: {  	_ =	shalt  }
0x40: {  	_ =	shalt  }
0x41: {  	_ =	shalt  }
0x42: {  	_ =	shalt  }
0x43: {  	_ =	shalt  }
0x44: {  	_ =	shalt  }
0x45: {  	_ =	shalt  }
0x46: {  	_ =	shalt  }
0x47: {  	_ =	shalt  }
0x48: {  	_ =	shalt  }
0x49: {  	_ =	shalt  }
0x4a: {  	_ =	shalt  }
0x4b: {  	_ =	shalt  }
0x4c: {  	_ =	shalt  }
0x4d: {  	_ =	shalt  }
0x4e: {  	_ =	shalt  }
0x4f: {  	_ =	shalt  }
0x50: {  	_ =	shalt  }
0x51: {  	_ =	shalt  }
0x52: {  	_ =	shalt  }
0x53: {  	_ =	shalt  }
0x54: {  	_ =	shalt  }
0x55: {  	_ =	shalt  }
0x56: {  	_ =	shalt  }
0x57: {  	_ =	shalt  }
0x58: {  	_ =	shalt  }
0x59: {  	_ =	shalt  }
0x5a: {  	_ =	shalt  }
0x5b: {  	_ =	shalt  }
0x5c: {  	_ =	shalt  }
0x5d: {  	_ =	shalt  }
0x5e: {  	_ =	shalt  }
0x5f: {  	_ =	shalt  }
0x60: {  	_ =	shalt  }
0x61: {  	_ =	shalt  }
0x62: {  	_ =	shalt  }
0x63: {  	_ =	shalt  }
0x64: {  	_ =	shalt  }
0x65: {  	_ =	shalt  }
0x66: {  	_ =	shalt  }
0x67: {  	_ =	shalt  }
0x68: {  	_ =	shalt  }
0x69: {  	_ =	shalt  }
0x6a: {  	_ =	shalt  }
0x6b: {  	_ =	shalt  }
0x6c: {  	_ =	shalt  }
0x6d: {  	_ =	shalt  }
0x6e: {  	_ =	shalt  }
0x6f: {  	_ =	shalt  }
0x70: {  	_ =	shalt  }
0x71: {  	_ =	shalt  }
0x72: {  	_ =	shalt  }
0x73: {  	_ =	shalt  }
0x74: {  	_ =	shalt  }
0x75: {  	_ =	shalt  }
0x76: {  	_ =	shalt  }
0x77: {  	_ =	shalt  }
0x78: {  	_ =	shalt  }
0x79: {  	_ =	shalt  }
0x7a: {  	_ =	shalt  }
0x7b: {  	_ =	shalt  }
0x7c: {  	_ =	shalt  }
0x7d: {  	_ =	shalt  }
0x7e: {  	_ =	shalt  }
0x7f: {  	_ =	shalt  }
0x80: {  	_ =	shalt  }
0x81: {  	_ =	shalt  }
0x82: {  	_ =	shalt  }
0x83: {  	_ =	shalt  }
0x84: {  	_ =	shalt  }
0x85: {  	_ =	shalt  }
0x86: {  	_ =	shalt  }
0x87: {  	_ =	shalt  }
.Lfunc_end0:
.L_simem_size_0:
called_computation_lowered:
.L_overlay_start_0:
0x88: {  	s2 =	sld [smem:$0x3FD9]  }
0x89: {  	s3 =	sld [smem:$0x3FFE];
	_ =	sdelay $0x1  }
0x8a: {  	s1 =	srdreg.scid  }
0x8b: {  	s0 =	sand.u32 $0x1, s1  }
0x8c: {  	s14 =	sshll.u32 s0, $0xA;
	s2 =	sadd.s32 s3, s2  }
0x8d: {  	s2 =	sadd.s32 s2, s14  }
0x8e: {  	[smem:$0x3FC6] =	sst s2  }
0x8f: {  	_ = 	snop  }
0x90: {  	s2 =	sld [smem:$0x3FD0];
	_ =	sdelay $0x2  }
0x91: {  	s15 =	simm.s32 $0xA;
	s4 =	simm.s32 $0x10  }
0x92: {  	[smem:s4], [sflag:s15] =	dma.local [hbm:s2], $0x1  }
0x93: {  	_ =	swait.eq [sflag:s15], $0x1  }
0x94: {  	[sflag:s15] =	ssyncset.done $0x0  }
0x95: {  	[sflag:s15] =	ssyncadd.s32 $0xFFFFFFFF  }
0x96: {  	s16 =	sld [smem:$0x10];
	(tm) =	ssettm $0x1  }
0x97: {  	s17 =	sld [smem:$0x3FFB];
	_ =	sdelay $0x3  }
0x98: {  	_ =	strace s17  }
0x99: {  	s3 =	sld [smem:$0x3FFC];
	_ =	sdelay $0x3  }
0x9a: {  	_ =	strace s3  }
0x9b: {  	s3 =	sld [smem:$0x3FFD];
	_ =	sdelay $0x3  }
0x9c: {  	_ =	strace s3  }
0x9d: {  	_ =	strace $0x8FFFFFFF  }
0x9e: {  	s18 =	sld [smem:$0x3FDB];
	_ =	sdelay $0x1  }
0x9f: {  	s19 =	simm.s32 $_scs_section_size  }
0xa0: {  	s5 =	simm.s32 $_size__tile_overlayer_lowered;
	s6 =	simm.s32 $_tile_overlayer_lowered  }
0xa1: {  	s22 =	simm.s32 $0x1BFF;
	s21 =	sshll.u32 s6, $0x1;
	s3 =	sadd.s32 s19, s18  }
0xa2: {  	s7 =	simm.s32 $0x0;
	s20 =	sshll.u32 s5, $0x1;
	s5 =	sadd.s32 s21, s3  }
0xa3: {  	[timem:s7], [sflag:s22] =	dma.local [hbm:s5], s20  }
0xa4: {  	_ =	swait.ge [sflag:s22], s20  }
0xa5: {  	s4 =	ssub.s32 $0x0, s20;
	[sflag:s22] =	ssyncset.done $0x0  }
0xa6: {  	[sflag:s22] =	ssyncadd.s32 s4;
	_ =	sdelay $0x1  }
0xa7: {  	s23 =	simm.s32 $0x1B8B  }
0xa8: {  	_ =	swait.ge [sflag:s23], $0x1  }
0xa9: {  	[sflag:s23] =	ssyncset.done $0x0  }
0xaa: {  	s25 =	simm.s32 $0x1B8E;
	s24 =	sld [smem:$0x3FFE];
	[sflag:s23] =	ssyncadd.s32 $0xFFFFFFFF  }
0xab: {  	s26 =	simm.s32 $execute0_lowered;
	[smem:$0x3FD2] =	sst s25  }
0xac: {  	s5 =	sshll.u32 s26, $0x1;
	_ =	strace $0x80000046;
	[dreg:$0x1] =	wrdreg $0xFFFFFFFF  }
0xad: {  	s28 =	simm.s32 $_size_execute0_lowered;
	s3 =	sadd.s32 s3, s5;
	[dreg:$0x0] =	wrdreg $0x0  }
0xae: {  	s5 =	sshll.u32 s28, $0x1;
	[dreg:$0x2] =	wrdreg s3  }
0xaf: {  	[dreg:$0x3] =	wrdreg s5  }
0xb0: {  	[dreg:$0x4] =	wrdreg $0xC0  }
0xb1: {  	_ =	task [dreg:s7], $0x5FFFF  }
0xb2: {  	[dreg:$0x1] =	wrdreg $0xFFFFFFFF  }
0xb3: {  	[dreg:$0x0] =	wrdreg $0x60  }
0xb4: {  	[dreg:$0x2] =	wrdreg s24  }
0xb5: {  	[dreg:$0x3] =	wrdreg s16  }
0xb6: {  	[dreg:$0x4] =	wrdreg $0x9  }
0xb7: {  	_ =	task.clear_ibuf [dreg:s7], $0x5FFFF;
	_ =	strace $0x90000046  }
0xb8: {  	s29 =	simm.s32 $0x9;
	_ =	strace $0x80000048  }
0xb9: {  	_ =	swait.ge [sflag:s29], $0x1  }
0xba: {  	[sflag:s29] =	ssyncadd.s32 $0xFFFFFFFF  }
0xbb: {  	_ =	strace $0x90000048  }
0xbc: {  	_ =	sfence  }
0xbd: {  	s30 =	sld [smem:$0x0];
	_ =	sdelay $0x2  }
0xbe: {  	s31 =	sshll.u32 s1, $0xD;
	s1 =	sshrl.u32 s1, $0x2  }
0xbf: {  	s3 =	sand.u32 $0x4000, s31;
	s1 =	sadd.s32 s1, s30  }
0xc0: {  	s0 =	sor.u32 s3, s0;
	s1 =	sshll.u32 s1, $0x11  }
0xc1: {  	s0 =	sor.u32 s1, s0  }
0xc2: {  	s0 =	sadd.s32 $0x8F2B, s0  }
0xc3: {  	[sflag:s0] =	ssyncadd.remote.s32 $0x1  }
0xc4: {  	_ =	sfence.sel $0xFFFF  }
0xc5: {  	[dreg:$0x0] =	wrdreg $0xFFFFFFFF;
	(pc) =	sbr.abs _section_cstart, $3  }
0xc6: {  	[dreg:$0x1] =	wrdreg $0xFFFFFFFF  }
0xc7: {  	_ =	task.clear_ibuf [dreg:s7], $0x2FFFF;
	_ =	strace $0x9FFFFFFF  }
0xc8: {  	(tm) =	ssettm $0x7FFFFFFF  }
0xc9: {  	_ =	shalt  }
tec
execute0_lowered:
.L_overlay_start_1:
0x0: {  	(tag) =	ssettag $0x1  }
0x1: {  	s1 =	srdreg.scid  }
0x2: {  	s5 =	rddreg [dreg:$0x0];
	s0 =	stileid.u32;
	s10 =	sand.u32 $0x1, s1  }
0x3: {  	s11 =	rddreg [dreg:$0x1];
	s3 =	sshll.u32 s0, $0x9;
	s4 =	sshll.u32 s10, $0x8  }
0x4: {  	s2 =	simm.s32 $0x0;
	s1 =	rddreg [dreg:$0x2];
	s9 =	sor.u32 s4, s3  }
0x5: {  	[smem:$0x7FF] =	sst s2;
	s12 =	sadd.s32 $0x21000, s5;
	s3 =	sshrl.u32 s9, $0x3  }
0x6: {  	_ =	strace $0x80000047;
	s4 =	sadd.s32 s12, s3;
	s3 =	simm.s32 $0x2  }
0x7: {  	[tilespmem:s2], [sflag:$0x2] =	stream.linear.gather [hbm4b:s4+s2], $0x80, $0x38;
	[tilespmem:$0x4080] =	vst v63  }
0x8: {  	_ =	swait.ge [sflag:s3], $0x80  }
0x9: {  	s6 =	simm.s32 $0x80;
	[sflag:s3] =	ssyncset.done $0x0  }
0xa: {  	s7 =	simm.s32 $0x1;
	s5 =	sadd.s32 $0x1000, s5;
	[sflag:s3] =	ssyncadd.s32 $0xFFFFFF80  }
0xb: {  	[tilespmem:s6], [sflag:$0x1] =	stream.indirect.gather [hbm4b:s5+s6], $0x80, s2, s6, $0xb8;
	[tilespmem:$0x4080] =	vst v63  }
0xc: {  	_ =	swait.ge [sflag:s7], $0x4000  }
0xd: {  	s8 =	sshll.u32 s9, $0x4;
	[sflag:s7] =	ssyncset.done $0x0  }
0xe: {  	s8 =	sadd.s32 s11, s8;
	[sflag:s7] =	ssyncadd.s32 $0xFFFFC000  }
0xf: {  	[hbm4b:s8+s2] =	stream.linear.scatter [tilespmem:s6], [sflag:$0x2], $0x4000, $0x38;
	[tilespmem:$0x4080] =	vst v63  }
0x10: {  	s13 =	sor.u32 $0x80, s9;
	_ =	swait.ge [sflag:s3], $0x4000  }
0x11: {  	s9 =	sshrl.u32 s13, $0x3;
	[sflag:s3] =	ssyncset.done $0x0  }
0x12: {  	s10 =	ssub.s32 $0x2, s10;
	s9 =	sadd.s32 s12, s9;
	[sflag:s3] =	ssyncadd.s32 $0xFFFFC000  }
0x13: {  	[tilespmem:s2], [sflag:$0x2] =	stream.linear.gather [hbm4b:s9+s2], $0x80, $0x38;
	[tilespmem:$0x4080] =	vst v63  }
0x14: {  	s29 =	sshrl.u32 s10, $0x1;
	_ =	swait.ge [sflag:s3], $0x80  }
0x15: {  	s12 =	ssub.s32 s10, s29;
	[sflag:s3] =	ssyncset.done $0x0  }
0x16: {  	s31 =	smax.u32 s12, $0x1;
	[sflag:s3] =	ssyncadd.s32 $0xFFFFFF80  }
0x17: {  	[tilespmem:s6], [sflag:$0x1] =	stream.indirect.gather [hbm4b:s5+s6], $0x80, s2, s6, $0xb8;
	[tilespmem:$0x4080] =	vst v63  }
0x18: {  	p0 =	sne.s32 s31, $0x1;
	_ =	swait.ge [sflag:s7], $0x4000  }
.Ltmp0:
0x19: {  	s30 =	sshll.u32 s13, $0x4;
	[sflag:s7] =	ssyncset.done $0x0;
	(pc) =	sbr.rel @!p0 .LBB2_2-.Ltmp0, $4  }
0x1a: {  	s10 =	sadd.s32 s11, s30;
	[sflag:s7] =	ssyncadd.s32 $0xFFFFC000  }
0x1b: {  	[hbm4b:s10+s2] =	stream.linear.scatter [tilespmem:s6], [sflag:$0x2], $0x4000, $0x38;
	[tilespmem:$0x4080] =	vst v63  }
0x1c: {  	_ =	swait.ge [sflag:s3], $0x4000  }
0x1d: {  	s11 =	sadd.s32 $0xFFFFFFFF, s31;
	[sflag:s3] =	ssyncset.done $0x0  }
.LBB2_1:
0x1e: {  	p0 =	sne.s32 s11, $0x1;
	s11 =	sadd.s32 $0xFFFFFFFF, s11;
	[sflag:s3] =	ssyncadd.s32 $0xFFFFC000  }
0x1f: {  	[tilespmem:s2], [sflag:$0x2] =	stream.linear.gather [hbm4b:s4+s2], $0x80, $0x38;
	[tilespmem:$0x4080] =	vst v63  }
0x20: {  	_ =	swait.ge [sflag:s3], $0x80  }
0x21: {  	[sflag:s3] =	ssyncset.done $0x0  }
0x22: {  	[sflag:s3] =	ssyncadd.s32 $0xFFFFFF80  }
0x23: {  	[tilespmem:s6], [sflag:$0x1] =	stream.indirect.gather [hbm4b:s5+s6], $0x80, s2, s6, $0xb8;
	[tilespmem:$0x4080] =	vst v63  }
0x24: {  	_ =	swait.ge [sflag:s7], $0x4000  }
0x25: {  	[sflag:s7] =	ssyncset.done $0x0  }
0x26: {  	[sflag:s7] =	ssyncadd.s32 $0xFFFFC000  }
0x27: {  	[hbm4b:s8+s2] =	stream.linear.scatter [tilespmem:s6], [sflag:$0x2], $0x4000, $0x38;
	[tilespmem:$0x4080] =	vst v63  }
0x28: {  	_ =	swait.ge [sflag:s3], $0x4000  }
0x29: {  	[sflag:s3] =	ssyncset.done $0x0  }
0x2a: {  	[sflag:s3] =	ssyncadd.s32 $0xFFFFC000  }
0x2b: {  	[tilespmem:s2], [sflag:$0x2] =	stream.linear.gather [hbm4b:s9+s2], $0x80, $0x38;
	[tilespmem:$0x4080] =	vst v63  }
0x2c: {  	_ =	swait.ge [sflag:s3], $0x80  }
0x2d: {  	[sflag:s3] =	ssyncset.done $0x0  }
0x2e: {  	[sflag:s3] =	ssyncadd.s32 $0xFFFFFF80  }
0x2f: {  	[tilespmem:s6], [sflag:$0x1] =	stream.indirect.gather [hbm4b:s5+s6], $0x80, s2, s6, $0xb8;
	[tilespmem:$0x4080] =	vst v63  }
0x30: {  	_ =	swait.ge [sflag:s7], $0x4000  }
.Ltmp1:
0x31: {  	[sflag:s7] =	ssyncset.done $0x0;
	(pc) =	sbr.rel @p0 .LBB2_1-.Ltmp1, $4  }
0x32: {  	[sflag:s7] =	ssyncadd.s32 $0xFFFFC000  }
0x33: {  	[hbm4b:s10+s2] =	stream.linear.scatter [tilespmem:s6], [sflag:$0x2], $0x4000, $0x38;
	[tilespmem:$0x4080] =	vst v63  }
0x34: {  	_ =	swait.ge [sflag:s3], $0x4000  }
0x35: {  	[sflag:s3] =	ssyncset.done $0x0  }
.LBB2_2:
0x36: {  	[sflag:s3] =	ssyncadd.s32 $0xFFFFC000  }
0x37: {  	_ =	sfence.sel $0x180000  }
0x38: {  	[bflag:$0x0] =	sbarrier.arrive $0xFFFF  }
0x39: {  	p0 =	sne.s32 s0, $0x0;
	_ =	strace $0x90000047  }
0x3a: {  	s0 =	sadd.s32 @!p0 $0x100000, s1;
	[bflag:$0x2] =	sbarrier.arrive $0xFFFF  }
0x3b: {  	[sflag:s0] =	ssyncadd.tile.s32 @!p0 $0x1;
	_ =	shalt  }
.Lfunc_end2:
_tile_overlayer_lowered:
.L_overlay_start_2:
0x3c: {  	(tag) =	ssettag $0x2  }
0x3d: {  	s0 =	rddreg [dreg:$0x0];
	s2 =	stileid.u32  }
0x3e: {  	s1 =	rddreg [dreg:$0x1];
	p0 =	sne.s32 s2, $0x0  }
0x3f: {  	s3 =	rddreg [dreg:$0x2];
	[bflag:$0x3] =	sbarrier.arrive $0xFFFF;
	s2 =	simm.s32 @!p0 $0x1C02  }
0x40: {  	[timem:s3], [sflag:s2] =	dma.local @!p0 [hbm:s0], s1  }
0x41: {  	s0 =	simm.s32 @!p0 $0x2  }
0x42: {  	_ =	swait.ge @!p0 [sflag:s0], s1  }
0x43: {  	s1 =	ssub.s32 @!p0 $0x0, s1;
	[sflag:s0] =	ssyncset.done @!p0 $0x0  }
0x44: {  	[sflag:s0] =	ssyncadd.s32 @!p0 s1  }
0x45: {  	[bflag:$0x3] =	sbarrier.arrive $0xFFFF  }
0x46: {  	_ =	shalt  }

</sc_bundles>
